<compile_context>
chip_gen: v7x
topology: tpu7x:2x2x1
jax: 0.10.2.dev20260603
libtpu: 0.0.44.dev20260713+nightly
codegen_flags: <defaults>
</compile_context>

<pallas_src>
import functools

import jax
import jax.numpy as jnp
from jax import lax
from jax.experimental import pallas as pl
from jax.experimental.pallas import tpu as pltpu
from jax.experimental.pallas import tpu_sc as plsc

_B = 4096
_F = 26
_V = 1000
_D = 32
_NUM = 13
_EPS = 1e-5

_NC = 2
_NS = 16
_NW = _NC * _NS
_ROWS = _B * _F
_RPW = _ROWS // _NW
_CH = 128
_NCHUNK = _RPW // _CH


def _sc_gather(table_flat, idx3d):
    mesh = plsc.VectorSubcoreMesh(core_axis_name="c", subcore_axis_name="s")

    dt = table_flat.dtype

    @functools.partial(
        pl.kernel,
        out_type=jax.ShapeDtypeStruct((_ROWS, _D), dt),
        mesh=mesh,
        scratch_types=[
            pltpu.VMEM((_RPW,), jnp.int32),
            pltpu.VMEM((_RPW, _D), dt),
            pltpu.SemaphoreType.DMA,
            pltpu.SemaphoreType.DMA,
            pltpu.SemaphoreType.DMA,
        ],
        compiler_params=pltpu.CompilerParams(use_tc_tiling_on_sc=False),
    )
    def gather_kernel(table_hbm, idx_hbm, out_hbm, idx_v, rows_v, g0s, g1s, ws):
        wid = lax.axis_index("s") * _NC + lax.axis_index("c")
        base = wid * _RPW
        half = _RPW // 2
        pltpu.sync_copy(idx_hbm.at[wid], idx_v)
        g0 = pltpu.async_copy(table_hbm.at[idx_v.at[pl.ds(0, half)]],
                              rows_v.at[pl.ds(0, half)], g0s)
        g1 = pltpu.async_copy(table_hbm.at[idx_v.at[pl.ds(half, half)]],
                              rows_v.at[pl.ds(half, half)], g1s)
        g0.wait()
        w0 = pltpu.async_copy(rows_v.at[pl.ds(0, half)],
                              out_hbm.at[pl.ds(base, half)], ws)
        g1.wait()
        w1 = pltpu.async_copy(rows_v.at[pl.ds(half, half)],
                              out_hbm.at[pl.ds(base + half, half)], ws)
        w0.wait()
        w1.wait()

    return gather_kernel(table_flat, idx3d)


_BB = 1024


def _mlp_body(xe_ref, xn_ref, w1e_ref, w1n_ref, b1_ref, s1_ref, t1_ref,
              w2_ref, b2_ref, s2_ref, t2_ref,
              w3_ref, b3_ref, s3_ref, t3_ref,
              wo_ref, bo_ref, out_ref):
    z1 = jnp.dot(xe_ref[...], w1e_ref[...], preferred_element_type=jnp.float32)
    z1 = z1 + jnp.dot(xn_ref[...], w1n_ref[...],
                      preferred_element_type=jnp.float32)
    h1 = jnp.maximum(z1 + b1_ref[...], 0.0) * s1_ref[...] + t1_ref[...]
    z2 = jnp.dot(h1, w2_ref[...], preferred_element_type=jnp.float32)
    h2 = jnp.maximum(z2 + b2_ref[...], 0.0) * s2_ref[...] + t2_ref[...]
    z3 = jnp.dot(h2, w3_ref[...], preferred_element_type=jnp.float32)
    h3 = jnp.maximum(z3 + b3_ref[...], 0.0) * s3_ref[...] + t3_ref[...]
    out_ref[...] = (jnp.dot(h3, wo_ref[...], preferred_element_type=jnp.float32)
                    + bo_ref[...])


def _mlp(xe, xn, w1e, w1n, b1, s1, t1, w2, b2, s2, t2, w3, b3, s3, t3, wo, bo):
    grid = (_B // _BB,)
    full = lambda shape: pl.BlockSpec(shape, lambda i: (0, 0))
    return pl.pallas_call(
        _mlp_body,
        grid=grid,
        in_specs=[
            pl.BlockSpec((_BB, _F * _D), lambda i: (i, 0)),
            pl.BlockSpec((_BB, _NUM), lambda i: (i, 0)),
            full(w1e.shape), full(w1n.shape), full(b1.shape),
            full(s1.shape), full(t1.shape),
            full(w2.shape), full(b2.shape), full(s2.shape), full(t2.shape),
            full(w3.shape), full(b3.shape), full(s3.shape), full(t3.shape),
            full(wo.shape), full(bo.shape),
        ],
        out_specs=pl.BlockSpec((_BB, 1), lambda i: (i, 0)),
        out_shape=jax.ShapeDtypeStruct((_B, 1), jnp.float32),
    )(xe, xn, w1e, w1n, b1, s1, t1, w2, b2, s2, t2, w3, b3, s3, t3, wo, bo)


def kernel(X_Categorical, X_Numerical, tables, bn0_w, bn0_b, bn0_rm, bn0_rv,
           W1, b1, bn1_w, bn1_b, bn1_rm, bn1_rv,
           W2, b2, bn2_w, bn2_b, bn2_rm, bn2_rv,
           W3, b3, bn3_w, bn3_b, bn3_rm, bn3_rv,
           Wout, bout):
    idx_flat = (X_Categorical.astype(jnp.int32)
                + (jnp.arange(_F, dtype=jnp.int32) * _V)[None, :])
    idx3d = idx_flat.reshape(_NW, _RPW)
    table_flat = tables.reshape(_F * _V, _D)

    emb = _sc_gather(table_flat, idx3d).reshape(_B, _F * _D)

    s0 = bn0_w * lax.rsqrt(bn0_rv + _EPS)
    t0 = bn0_b - bn0_rm * s0
    s1 = (bn1_w * lax.rsqrt(bn1_rv + _EPS))[None, :]
    t1 = (bn1_b - bn1_rm * s1[0])[None, :]
    s2 = (bn2_w * lax.rsqrt(bn2_rv + _EPS))[None, :]
    t2 = (bn2_b - bn2_rm * s2[0])[None, :]
    s3 = (bn3_w * lax.rsqrt(bn3_rv + _EPS))[None, :]
    t3 = (bn3_b - bn3_rm * s3[0])[None, :]

    w1e = W1[:_F * _D, :]
    w1n = W1[_F * _D:, :] * s0[:, None]
    b1f = (b1 + t0 @ W1[_F * _D:, :])[None, :]

    return _mlp(emb, X_Numerical, w1e, w1n, b1f, s1, t1, W2, b2[None, :],
                s2, t2, W3, b3[None, :], s3, t3, Wout, bout[None, :])

# --- scband reference (transcript-rebuilt; emitter-appended) ---
"""Pipeline reference for scband-fare-prediction-model-25838523253014 (READ-ONLY COPY).

The authoritative reference and input builder live on the scoring server;
editing this copy changes nothing except your own understanding.
"""

import jax, jax.numpy as jnp
import numpy as np

B = 4096
F = 26
V = 1000
D = 32
NUM = 13
EPS = 1e-5


def setup_inputs(seed: int = 0) -> dict:
    key = jax.random.key(seed)
    ks = jax.random.split(key, 32)
    inp = {}
    inp["X_Categorical"] = jax.random.randint(ks[0], (B, F), 0, V)
    inp["X_Numerical"] = jax.random.normal(ks[1], (B, NUM), dtype=jnp.float32)
    # embedding tables: 26 tables of shape [1000, 32], stacked
    inp["tables"] = jax.random.normal(ks[2], (F, V, D), dtype=jnp.float32) * 0.05
    # batchnorm over numeric features (eval mode: running stats)
    inp["bn0_w"] = jnp.ones((NUM,), dtype=jnp.float32)
    inp["bn0_b"] = jnp.zeros((NUM,), dtype=jnp.float32)
    inp["bn0_rm"] = jnp.zeros((NUM,), dtype=jnp.float32)
    inp["bn0_rv"] = jnp.ones((NUM,), dtype=jnp.float32)
    d_in = F * D + NUM  # 845
    dims = [d_in, 1024, 512, 256]
    kidx = 3
    for li in range(3):
        fan_in, fan_out = dims[li], dims[li + 1]
        inp[f"W{li+1}"] = jax.random.normal(ks[kidx], (fan_in, fan_out), dtype=jnp.float32) * (1.0 / np.sqrt(fan_in)); kidx += 1
        inp[f"b{li+1}"] = jnp.zeros((fan_out,), dtype=jnp.float32)
        inp[f"bn{li+1}_w"] = jnp.ones((fan_out,), dtype=jnp.float32)
        inp[f"bn{li+1}_b"] = jnp.zeros((fan_out,), dtype=jnp.float32)
        inp[f"bn{li+1}_rm"] = jnp.zeros((fan_out,), dtype=jnp.float32)
        inp[f"bn{li+1}_rv"] = jnp.ones((fan_out,), dtype=jnp.float32)
    inp["Wout"] = jax.random.normal(ks[kidx], (256, 1), dtype=jnp.float32) * (1.0 / np.sqrt(256.0))
    inp["bout"] = jnp.zeros((1,), dtype=jnp.float32)
    return inp


def _bn(x, w, b, rm, rv):
    return (x - rm) / jnp.sqrt(rv + EPS) * w + b


def reference(X_Categorical, X_Numerical, tables, bn0_w, bn0_b, bn0_rm, bn0_rv,
              W1, b1, bn1_w, bn1_b, bn1_rm, bn1_rv,
              W2, b2, bn2_w, bn2_b, bn2_rm, bn2_rv,
              W3, b3, bn3_w, bn3_b, bn3_rm, bn3_rv,
              Wout, bout):
    # eval-mode semantics: dropout = identity, batchnorm uses running stats
    Bsz, Fn = X_Categorical.shape
    field_ids = jnp.arange(Fn)[None, :]  # [1, F]
    emb = tables[field_ids, X_Categorical]  # gather -> [B, F, D]
    X = emb.reshape(Bsz, -1)
    xn = _bn(X_Numerical, bn0_w, bn0_b, bn0_rm, bn0_rv)
    X = jnp.concatenate([X, xn], axis=1)
    h = jax.nn.relu(X @ W1 + b1)
    h = _bn(h, bn1_w, bn1_b, bn1_rm, bn1_rv)
    h = jax.nn.relu(h @ W2 + b2)
    h = _bn(h, bn2_w, bn2_b, bn2_rm, bn2_rv)
    h = jax.nn.relu(h @ W3 + b3)
    h = _bn(h, bn3_w, bn3_b, bn3_rm, bn3_rv)
    return h @ Wout + bout

if __name__ == "__main__":
    import jax
    _d = setup_inputs()
    print(jax.jit(kernel)(*tuple(_d.values())))

</pallas_src>

<mosaic_0001>
#map = affine_map<(d0, d1) -> (0, 0)>
module attributes {stable_mosaic.version = 14 : i64} {
  func.func @gather_kernel(%arg0: i32, %arg1: i32, %arg2: memref<26000x32xf32, #tpu.memory_space<hbm>>, %arg3: memref<32x3328xi32, #tpu.memory_space<hbm>>, %arg4: memref<106496x32xf32, #tpu.memory_space<hbm>>, %arg5: memref<3328xi32, #tpu.memory_space<vmem>>, %arg6: memref<3328x32xf32, #tpu.memory_space<vmem>>, %arg7: memref<!tpu.dma_semaphore, #tpu.memory_space<semaphore_mem>>, %arg8: memref<!tpu.dma_semaphore, #tpu.memory_space<semaphore_mem>>, %arg9: memref<!tpu.dma_semaphore, #tpu.memory_space<semaphore_mem>>) attributes {dimension_semantics = [#tpu.dimension_semantics<core_parallel>, #tpu.dimension_semantics<subcore_parallel>], iteration_bounds = array<i64: 2, 16>, scalar_prefetch = 0 : i64, scratch_operands = 5 : i64, tpu.core_type = #tpu.core_type<sc_vector_subcore>, window_params = [{transform_indices = #map}, {transform_indices = #map}, {transform_indices = #map}]} {
    %mul3A = arith.constant 2 : i32
    %mul3A_0 = arith.muli %arg1, %mul3A : i32
    %add3A = arith.addi %mul3A_0, %arg0 : i32
    %mul3A_1 = arith.constant 3328 : i32
    %mul3A_2 = arith.muli %add3A, %mul3A_1 : i32
    "tpu.region"() ({
      %run_scoped3A = tpu.sem_alloc : memref<!tpu.dma_semaphore, #tpu.memory_space<semaphore_mem>>
      %dma_start3A_75 = arith.constant 0 : i32
      %dma_start3A_76 = tpu.memref_slice %arg3[%add3A, %dma_start3A_75] : memref<32x3328xi32, #tpu.memory_space<hbm>> -> memref<1x3328xi32, #tpu.memory_space<hbm>>
      %dma_start3A_77 = tpu.memref_squeeze %dma_start3A_76 : memref<1x3328xi32, #tpu.memory_space<hbm>> -> memref<3328xi32, #tpu.memory_space<hbm>>
      %dma_start3A_78 = arith.constant 0 : i32
      %dma_start3A_79 = tpu.memref_slice %arg3[%add3A, %dma_start3A_78] : memref<32x3328xi32, #tpu.memory_space<hbm>> -> memref<1x3328xi32, #tpu.memory_space<hbm>>
      %dma_start3A_80 = tpu.memref_squeeze %dma_start3A_79 : memref<1x3328xi32, #tpu.memory_space<hbm>> -> memref<3328xi32, #tpu.memory_space<hbm>>
      tpu.enqueue_dma source(%dma_start3A_80 : memref<3328xi32, #tpu.memory_space<hbm>>) target(%arg5 : memref<3328xi32, #tpu.memory_space<vmem>>) target_semaphore(%run_scoped3A : memref<!tpu.dma_semaphore, #tpu.memory_space<semaphore_mem>>)
      %dma_wait3A_81 = arith.constant 0 : i32
      %dma_wait3A_82 = tpu.memref_slice %arg3[%add3A, %dma_wait3A_81] : memref<32x3328xi32, #tpu.memory_space<hbm>> -> memref<1x3328xi32, #tpu.memory_space<hbm>>
      %dma_wait3A_83 = tpu.memref_squeeze %dma_wait3A_82 : memref<1x3328xi32, #tpu.memory_space<hbm>> -> memref<3328xi32, #tpu.memory_space<hbm>>
      %dma_wait3A_84 = arith.constant 0 : i32
      %dma_wait3A_85 = tpu.memref_slice %arg3[%add3A, %dma_wait3A_84] : memref<32x3328xi32, #tpu.memory_space<hbm>> -> memref<1x3328xi32, #tpu.memory_space<hbm>>
      %dma_wait3A_86 = tpu.memref_squeeze %dma_wait3A_85 : memref<1x3328xi32, #tpu.memory_space<hbm>> -> memref<3328xi32, #tpu.memory_space<hbm>>
      tpu.wait_dma2 semaphore(%run_scoped3A : memref<!tpu.dma_semaphore, #tpu.memory_space<semaphore_mem>>) src(%dma_wait3A_86 : memref<3328xi32, #tpu.memory_space<hbm>>) dst(%arg5 : memref<3328xi32, #tpu.memory_space<vmem>>)
      tpu.yield
    }) : () -> ()
    %dma_start3A = arith.constant 0 : i32
    %dma_start3A_3 = arith.constant 0 : i32
    %dma_start3A_4 = tpu.memref_slice %arg6[%dma_start3A, %dma_start3A_3] : memref<3328x32xf32, #tpu.memory_space<vmem>> -> memref<1664x32xf32, #tpu.memory_space<vmem>>
    %dma_start3A_5 = arith.constant 0 : i32
    %dma_start3A_6 = tpu.memref_slice %arg5[%dma_start3A_5] : memref<3328xi32, #tpu.memory_space<vmem>> -> memref<1664xi32, #tpu.memory_space<vmem>>
    %dma_start3A_7 = arith.constant 0 : i32
    %dma_start3A_8 = arith.constant 0 : i32
    %dma_start3A_9 = tpu.memref_slice %arg2[%dma_start3A_7, %dma_start3A_8] : memref<26000x32xf32, #tpu.memory_space<hbm>> -> memref<26000x32xf32, #tpu.memory_space<hbm>>
    tpu.enqueue_indirect_dma source(%dma_start3A_9 : memref<26000x32xf32, #tpu.memory_space<hbm>>) target(%dma_start3A_4 : memref<1664x32xf32, #tpu.memory_space<vmem>>) offsets(%dma_start3A_6 : memref<1664xi32, #tpu.memory_space<vmem>>) semaphore(%arg7 : memref<!tpu.dma_semaphore, #tpu.memory_space<semaphore_mem>>)
    %dma_start3A_10 = arith.constant 1664 : i32
    %dma_start3A_11 = arith.constant 0 : i32
    %dma_start3A_12 = tpu.memref_slice %arg6[%dma_start3A_10, %dma_start3A_11] : memref<3328x32xf32, #tpu.memory_space<vmem>> -> memref<1664x32xf32, #tpu.memory_space<vmem>>
    %dma_start3A_13 = arith.constant 1664 : i32
    %dma_start3A_14 = tpu.memref_slice %arg5[%dma_start3A_13] : memref<3328xi32, #tpu.memory_space<vmem>> -> memref<1664xi32, #tpu.memory_space<vmem>>
    %dma_start3A_15 = arith.constant 0 : i32
    %dma_start3A_16 = arith.constant 0 : i32
    %dma_start3A_17 = tpu.memref_slice %arg2[%dma_start3A_15, %dma_start3A_16] : memref<26000x32xf32, #tpu.memory_space<hbm>> -> memref<26000x32xf32, #tpu.memory_space<hbm>>
    tpu.enqueue_indirect_dma source(%dma_start3A_17 : memref<26000x32xf32, #tpu.memory_space<hbm>>) target(%dma_start3A_12 : memref<1664x32xf32, #tpu.memory_space<vmem>>) offsets(%dma_start3A_14 : memref<1664xi32, #tpu.memory_space<vmem>>) semaphore(%arg8 : memref<!tpu.dma_semaphore, #tpu.memory_space<semaphore_mem>>)
    %dma_wait3A = arith.constant 0 : i32
    %dma_wait3A_18 = arith.constant 0 : i32
    %dma_wait3A_19 = tpu.memref_slice %arg6[%dma_wait3A, %dma_wait3A_18] : memref<3328x32xf32, #tpu.memory_space<vmem>> -> memref<1664x32xf32, #tpu.memory_space<vmem>>
    %dma_wait3A_20 = arith.constant 0 : i32
    %dma_wait3A_21 = tpu.memref_slice %arg5[%dma_wait3A_20] : memref<3328xi32, #tpu.memory_space<vmem>> -> memref<1664xi32, #tpu.memory_space<vmem>>
    %dma_wait3A_22 = arith.constant 0 : i32
    %dma_wait3A_23 = arith.constant 0 : i32
    %dma_wait3A_24 = tpu.memref_slice %arg2[%dma_wait3A_22, %dma_wait3A_23] : memref<26000x32xf32, #tpu.memory_space<hbm>> -> memref<26000x32xf32, #tpu.memory_space<hbm>>
    tpu.wait_indirect_dma semaphore(%arg7 : memref<!tpu.dma_semaphore, #tpu.memory_space<semaphore_mem>>) src(%dma_wait3A_24 : memref<26000x32xf32, #tpu.memory_space<hbm>>) dst(%dma_wait3A_19 : memref<1664x32xf32, #tpu.memory_space<vmem>>)
    %dma_start3A_25 = arith.constant 0 : i32
    %dma_start3A_26 = arith.constant 0 : i32
    %dma_start3A_27 = tpu.memref_slice %arg6[%dma_start3A_25, %dma_start3A_26] : memref<3328x32xf32, #tpu.memory_space<vmem>> -> memref<1664x32xf32, #tpu.memory_space<vmem>>
    %dma_start3A_28 = arith.constant 0 : i32
    %dma_start3A_29 = tpu.memref_slice %arg4[%mul3A_2, %dma_start3A_28] : memref<106496x32xf32, #tpu.memory_space<hbm>> -> memref<1664x32xf32, #tpu.memory_space<hbm>>
    %dma_start3A_30 = arith.constant 0 : i32
    %dma_start3A_31 = tpu.memref_slice %arg4[%mul3A_2, %dma_start3A_30] : memref<106496x32xf32, #tpu.memory_space<hbm>> -> memref<1664x32xf32, #tpu.memory_space<hbm>>
    %dma_start3A_32 = arith.constant 0 : i32
    %dma_start3A_33 = arith.constant 0 : i32
    %dma_start3A_34 = tpu.memref_slice %arg6[%dma_start3A_32, %dma_start3A_33] : memref<3328x32xf32, #tpu.memory_space<vmem>> -> memref<1664x32xf32, #tpu.memory_space<vmem>>
    tpu.enqueue_dma source(%dma_start3A_34 : memref<1664x32xf32, #tpu.memory_space<vmem>>) target(%dma_start3A_31 : memref<1664x32xf32, #tpu.memory_space<hbm>>) target_semaphore(%arg9 : memref<!tpu.dma_semaphore, #tpu.memory_space<semaphore_mem>>)
    %dma_wait3A_35 = arith.constant 1664 : i32
    %dma_wait3A_36 = arith.constant 0 : i32
    %dma_wait3A_37 = tpu.memref_slice %arg6[%dma_wait3A_35, %dma_wait3A_36] : memref<3328x32xf32, #tpu.memory_space<vmem>> -> memref<1664x32xf32, #tpu.memory_space<vmem>>
    %dma_wait3A_38 = arith.constant 1664 : i32
    %dma_wait3A_39 = tpu.memref_slice %arg5[%dma_wait3A_38] : memref<3328xi32, #tpu.memory_space<vmem>> -> memref<1664xi32, #tpu.memory_space<vmem>>
    %dma_wait3A_40 = arith.constant 0 : i32
    %dma_wait3A_41 = arith.constant 0 : i32
    %dma_wait3A_42 = tpu.memref_slice %arg2[%dma_wait3A_40, %dma_wait3A_41] : memref<26000x32xf32, #tpu.memory_space<hbm>> -> memref<26000x32xf32, #tpu.memory_space<hbm>>
    tpu.wait_indirect_dma semaphore(%arg8 : memref<!tpu.dma_semaphore, #tpu.memory_space<semaphore_mem>>) src(%dma_wait3A_42 : memref<26000x32xf32, #tpu.memory_space<hbm>>) dst(%dma_wait3A_37 : memref<1664x32xf32, #tpu.memory_space<vmem>>)
    %add3A_43 = arith.constant 1664 : i32
    %add3A_44 = arith.addi %mul3A_2, %add3A_43 : i32
    %dma_start3A_45 = arith.constant 1664 : i32
    %dma_start3A_46 = arith.constant 0 : i32
    %dma_start3A_47 = tpu.memref_slice %arg6[%dma_start3A_45, %dma_start3A_46] : memref<3328x32xf32, #tpu.memory_space<vmem>> -> memref<1664x32xf32, #tpu.memory_space<vmem>>
    %dma_start3A_48 = arith.constant 0 : i32
    %dma_start3A_49 = tpu.memref_slice %arg4[%add3A_44, %dma_start3A_48] : memref<106496x32xf32, #tpu.memory_space<hbm>> -> memref<1664x32xf32, #tpu.memory_space<hbm>>
    %dma_start3A_50 = arith.constant 0 : i32
    %dma_start3A_51 = tpu.memref_slice %arg4[%add3A_44, %dma_start3A_50] : memref<106496x32xf32, #tpu.memory_space<hbm>> -> memref<1664x32xf32, #tpu.memory_space<hbm>>
    %dma_start3A_52 = arith.constant 1664 : i32
    %dma_start3A_53 = arith.constant 0 : i32
    %dma_start3A_54 = tpu.memref_slice %arg6[%dma_start3A_52, %dma_start3A_53] : memref<3328x32xf32, #tpu.memory_space<vmem>> -> memref<1664x32xf32, #tpu.memory_space<vmem>>
    tpu.enqueue_dma source(%dma_start3A_54 : memref<1664x32xf32, #tpu.memory_space<vmem>>) target(%dma_start3A_51 : memref<1664x32xf32, #tpu.memory_space<hbm>>) target_semaphore(%arg9 : memref<!tpu.dma_semaphore, #tpu.memory_space<semaphore_mem>>)
    %dma_wait3A_55 = arith.constant 0 : i32
    %dma_wait3A_56 = arith.constant 0 : i32
    %dma_wait3A_57 = tpu.memref_slice %arg6[%dma_wait3A_55, %dma_wait3A_56] : memref<3328x32xf32, #tpu.memory_space<vmem>> -> memref<1664x32xf32, #tpu.memory_space<vmem>>
    %dma_wait3A_58 = arith.constant 0 : i32
    %dma_wait3A_59 = tpu.memref_slice %arg4[%mul3A_2, %dma_wait3A_58] : memref<106496x32xf32, #tpu.memory_space<hbm>> -> memref<1664x32xf32, #tpu.memory_space<hbm>>
    %dma_wait3A_60 = arith.constant 0 : i32
    %dma_wait3A_61 = tpu.memref_slice %arg4[%mul3A_2, %dma_wait3A_60] : memref<106496x32xf32, #tpu.memory_space<hbm>> -> memref<1664x32xf32, #tpu.memory_space<hbm>>
    %dma_wait3A_62 = arith.constant 0 : i32
    %dma_wait3A_63 = arith.constant 0 : i32
    %dma_wait3A_64 = tpu.memref_slice %arg6[%dma_wait3A_62, %dma_wait3A_63] : memref<3328x32xf32, #tpu.memory_space<vmem>> -> memref<1664x32xf32, #tpu.memory_space<vmem>>
    tpu.wait_dma2 semaphore(%arg9 : memref<!tpu.dma_semaphore, #tpu.memory_space<semaphore_mem>>) src(%dma_wait3A_64 : memref<1664x32xf32, #tpu.memory_space<vmem>>) dst(%dma_wait3A_61 : memref<1664x32xf32, #tpu.memory_space<hbm>>)
    %dma_wait3A_65 = arith.constant 1664 : i32
    %dma_wait3A_66 = arith.constant 0 : i32
    %dma_wait3A_67 = tpu.memref_slice %arg6[%dma_wait3A_65, %dma_wait3A_66] : memref<3328x32xf32, #tpu.memory_space<vmem>> -> memref<1664x32xf32, #tpu.memory_space<vmem>>
    %dma_wait3A_68 = arith.constant 0 : i32
    %dma_wait3A_69 = tpu.memref_slice %arg4[%add3A_44, %dma_wait3A_68] : memref<106496x32xf32, #tpu.memory_space<hbm>> -> memref<1664x32xf32, #tpu.memory_space<hbm>>
    %dma_wait3A_70 = arith.constant 0 : i32
    %dma_wait3A_71 = tpu.memref_slice %arg4[%add3A_44, %dma_wait3A_70] : memref<106496x32xf32, #tpu.memory_space<hbm>> -> memref<1664x32xf32, #tpu.memory_space<hbm>>
    %dma_wait3A_72 = arith.constant 1664 : i32
    %dma_wait3A_73 = arith.constant 0 : i32
    %dma_wait3A_74 = tpu.memref_slice %arg6[%dma_wait3A_72, %dma_wait3A_73] : memref<3328x32xf32, #tpu.memory_space<vmem>> -> memref<1664x32xf32, #tpu.memory_space<vmem>>
    tpu.wait_dma2 semaphore(%arg9 : memref<!tpu.dma_semaphore, #tpu.memory_space<semaphore_mem>>) src(%dma_wait3A_74 : memref<1664x32xf32, #tpu.memory_space<vmem>>) dst(%dma_wait3A_71 : memref<1664x32xf32, #tpu.memory_space<hbm>>)
    return
  }
}

module attributes {stable_mosaic.version = 14 : i64} {
  func.func @_mlp_body(%arg0: i32, %arg1: memref<1024x832xf32, #tpu.memory_space<vmem>>, %arg2: memref<1024x13xf32, #tpu.memory_space<vmem>>, %arg3: memref<832x1024xf32, #tpu.memory_space<vmem>>, %arg4: memref<13x1024xf32, #tpu.memory_space<vmem>>, %arg5: memref<1x1024xf32, #tpu.memory_space<vmem>>, %arg6: memref<1x1024xf32, #tpu.memory_space<vmem>>, %arg7: memref<1x1024xf32, #tpu.memory_space<vmem>>, %arg8: memref<1024x512xf32, #tpu.memory_space<vmem>>, %arg9: memref<1x512xf32, #tpu.memory_space<vmem>>, %arg10: memref<1x512xf32, #tpu.memory_space<vmem>>, %arg11: memref<1x512xf32, #tpu.memory_space<vmem>>, %arg12: memref<512x256xf32, #tpu.memory_space<vmem>>, %arg13: memref<1x256xf32, #tpu.memory_space<vmem>>, %arg14: memref<1x256xf32, #tpu.memory_space<vmem>>, %arg15: memref<1x256xf32, #tpu.memory_space<vmem>>, %arg16: memref<256x1xf32, #tpu.memory_space<vmem>>, %arg17: memref<1x1xf32, #tpu.memory_space<vmem>>, %arg18: memref<1024x1xf32, #tpu.memory_space<vmem>>) attributes {dimension_semantics = [#tpu.dimension_semantics<arbitrary>], iteration_bounds = array<i64: 4>, scalar_prefetch = 0 : i64, scratch_operands = 0 : i64, tpu.core_type = #tpu.core_type<tc>, window_params = [{transform_indices = @transform_0, window_bounds = array<i64: 1024, 832>}, {transform_indices = @transform_1, window_bounds = array<i64: 1024, 13>}, {pipeline_mode = #tpu.pipeline_mode<synchronous>, transform_indices = @transform_2, window_bounds = array<i64: 832, 1024>}, {pipeline_mode = #tpu.pipeline_mode<synchronous>, transform_indices = @transform_3, window_bounds = array<i64: 13, 1024>}, {pipeline_mode = #tpu.pipeline_mode<synchronous>, transform_indices = @transform_4, window_bounds = array<i64: 1, 1024>}, {pipeline_mode = #tpu.pipeline_mode<synchronous>, transform_indices = @transform_5, window_bounds = array<i64: 1, 1024>}, {pipeline_mode = #tpu.pipeline_mode<synchronous>, transform_indices = @transform_6, window_bounds = array<i64: 1, 1024>}, {pipeline_mode = #tpu.pipeline_mode<synchronous>, transform_indices = @transform_7, window_bounds = array<i64: 1024, 512>}, {pipeline_mode = #tpu.pipeline_mode<synchronous>, transform_indices = @transform_8, window_bounds = array<i64: 1, 512>}, {pipeline_mode = #tpu.pipeline_mode<synchronous>, transform_indices = @transform_9, window_bounds = array<i64: 1, 512>}, {pipeline_mode = #tpu.pipeline_mode<synchronous>, transform_indices = @transform_10, window_bounds = array<i64: 1, 512>}, {pipeline_mode = #tpu.pipeline_mode<synchronous>, transform_indices = @transform_11, window_bounds = array<i64: 512, 256>}, {pipeline_mode = #tpu.pipeline_mode<synchronous>, transform_indices = @transform_12, window_bounds = array<i64: 1, 256>}, {pipeline_mode = #tpu.pipeline_mode<synchronous>, transform_indices = @transform_13, window_bounds = array<i64: 1, 256>}, {pipeline_mode = #tpu.pipeline_mode<synchronous>, transform_indices = @transform_14, window_bounds = array<i64: 1, 256>}, {pipeline_mode = #tpu.pipeline_mode<synchronous>, transform_indices = @transform_15, window_bounds = array<i64: 256, 1>}, {pipeline_mode = #tpu.pipeline_mode<synchronous>, transform_indices = @transform_16, window_bounds = array<i64: 1, 1>}, {transform_indices = @transform_17, window_bounds = array<i64: 1024, 1>}]} {
    %get3A = arith.constant 0 : index
    %get3A_0 = arith.constant 0 : index
    %get3A_1 = vector.load %arg1[%get3A, %get3A_0] : memref<1024x832xf32, #tpu.memory_space<vmem>>, vector<1024x832xf32>
    %get3A_2 = arith.constant 0 : index
    %get3A_3 = arith.constant 0 : index
    %get3A_4 = vector.load %arg3[%get3A_2, %get3A_3] : memref<832x1024xf32, #tpu.memory_space<vmem>>, vector<832x1024xf32>
    %dot_general3A = arith.constant dense<0.000000e+00> : vector<1024x1024xf32>
    %dot_general3A_5 = tpu.matmul %get3A_1, %get3A_4, %dot_general3A {dimension_numbers = #tpu.dot_dimension_numbers<[1], [0], [0], [1], [0, 0, 1, 1], [], []>, transpose_lhs_hint = false} : vector<1024x832xf32>, vector<832x1024xf32>, vector<1024x1024xf32> -> vector<1024x1024xf32>
    %get3A_6 = arith.constant 0 : index
    %get3A_7 = arith.constant 0 : index
    %get3A_8 = vector.load %arg2[%get3A_6, %get3A_7] : memref<1024x13xf32, #tpu.memory_space<vmem>>, vector<1024x13xf32>
    %get3A_9 = arith.constant 0 : index
    %get3A_10 = arith.constant 0 : index
    %get3A_11 = vector.load %arg4[%get3A_9, %get3A_10] : memref<13x1024xf32, #tpu.memory_space<vmem>>, vector<13x1024xf32>
    %dot_general3A_12 = arith.constant dense<0.000000e+00> : vector<1024x1024xf32>
    %dot_general3A_13 = tpu.matmul %get3A_8, %get3A_11, %dot_general3A_12 {dimension_numbers = #tpu.dot_dimension_numbers<[1], [0], [0], [1], [0, 0, 1, 1], [], []>, transpose_lhs_hint = false} : vector<1024x13xf32>, vector<13x1024xf32>, vector<1024x1024xf32> -> vector<1024x1024xf32>
    %add3A = arith.addf %dot_general3A_5, %dot_general3A_13 : vector<1024x1024xf32>
    %get3A_14 = arith.constant 0 : index
    %get3A_15 = arith.constant 0 : index
    %get3A_16 = vector.load %arg5[%get3A_14, %get3A_15] : memref<1x1024xf32, #tpu.memory_space<vmem>>, vector<1x1024xf32>
    %add3A_17 = vector.broadcast %get3A_16 : vector<1x1024xf32> to vector<1024x1024xf32>
    %add3A_18 = arith.addf %add3A, %add3A_17 : vector<1024x1024xf32>
    %max3A = arith.constant 0.000000e+00 : f32
    %max3A_19 = vector.broadcast %max3A : f32 to vector<1024x1024xf32>
    %max3A_20 = arith.maximumf %add3A_18, %max3A_19 : vector<1024x1024xf32>
    %get3A_21 = arith.constant 0 : index
    %get3A_22 = arith.constant 0 : index
    %get3A_23 = vector.load %arg6[%get3A_21, %get3A_22] : memref<1x1024xf32, #tpu.memory_space<vmem>>, vector<1x1024xf32>
    %mul3A = vector.broadcast %get3A_23 : vector<1x1024xf32> to vector<1024x1024xf32>
    %mul3A_24 = arith.mulf %max3A_20, %mul3A : vector<1024x1024xf32>
    %get3A_25 = arith.constant 0 : index
    %get3A_26 = arith.constant 0 : index
    %get3A_27 = vector.load %arg7[%get3A_25, %get3A_26] : memref<1x1024xf32, #tpu.memory_space<vmem>>, vector<1x1024xf32>
    %add3A_28 = vector.broadcast %get3A_27 : vector<1x1024xf32> to vector<1024x1024xf32>
    %add3A_29 = arith.addf %mul3A_24, %add3A_28 : vector<1024x1024xf32>
    %get3A_30 = arith.constant 0 : index
    %get3A_31 = arith.constant 0 : index
    %get3A_32 = vector.load %arg8[%get3A_30, %get3A_31] : memref<1024x512xf32, #tpu.memory_space<vmem>>, vector<1024x512xf32>
    %dot_general3A_33 = arith.constant dense<0.000000e+00> : vector<1024x512xf32>
    %dot_general3A_34 = tpu.matmul %add3A_29, %get3A_32, %dot_general3A_33 {dimension_numbers = #tpu.dot_dimension_numbers<[1], [0], [0], [1], [0, 0, 1, 1], [], []>, transpose_lhs_hint = false} : vector<1024x1024xf32>, vector<1024x512xf32>, vector<1024x512xf32> -> vector<1024x512xf32>
    %get3A_35 = arith.constant 0 : index
    %get3A_36 = arith.constant 0 : index
    %get3A_37 = vector.load %arg9[%get3A_35, %get3A_36] : memref<1x512xf32, #tpu.memory_space<vmem>>, vector<1x512xf32>
    %add3A_38 = vector.broadcast %get3A_37 : vector<1x512xf32> to vector<1024x512xf32>
    %add3A_39 = arith.addf %dot_general3A_34, %add3A_38 : vector<1024x512xf32>
    %max3A_40 = arith.constant 0.000000e+00 : f32
    %max3A_41 = vector.broadcast %max3A_40 : f32 to vector<1024x512xf32>
    %max3A_42 = arith.maximumf %add3A_39, %max3A_41 : vector<1024x512xf32>
    %get3A_43 = arith.constant 0 : index
    %get3A_44 = arith.constant 0 : index
    %get3A_45 = vector.load %arg10[%get3A_43, %get3A_44] : memref<1x512xf32, #tpu.memory_space<vmem>>, vector<1x512xf32>
    %mul3A_46 = vector.broadcast %get3A_45 : vector<1x512xf32> to vector<1024x512xf32>
    %mul3A_47 = arith.mulf %max3A_42, %mul3A_46 : vector<1024x512xf32>
    %get3A_48 = arith.constant 0 : index
    %get3A_49 = arith.constant 0 : index
    %get3A_50 = vector.load %arg11[%get3A_48, %get3A_49] : memref<1x512xf32, #tpu.memory_space<vmem>>, vector<1x512xf32>
    %add3A_51 = vector.broadcast %get3A_50 : vector<1x512xf32> to vector<1024x512xf32>
    %add3A_52 = arith.addf %mul3A_47, %add3A_51 : vector<1024x512xf32>
    %get3A_53 = arith.constant 0 : index
    %get3A_54 = arith.constant 0 : index
    %get3A_55 = vector.load %arg12[%get3A_53, %get3A_54] : memref<512x256xf32, #tpu.memory_space<vmem>>, vector<512x256xf32>
    %dot_general3A_56 = arith.constant dense<0.000000e+00> : vector<1024x256xf32>
    %dot_general3A_57 = tpu.matmul %add3A_52, %get3A_55, %dot_general3A_56 {dimension_numbers = #tpu.dot_dimension_numbers<[1], [0], [0], [1], [0, 0, 1, 1], [], []>, transpose_lhs_hint = false} : vector<1024x512xf32>, vector<512x256xf32>, vector<1024x256xf32> -> vector<1024x256xf32>
    %get3A_58 = arith.constant 0 : index
    %get3A_59 = arith.constant 0 : index
    %get3A_60 = vector.load %arg13[%get3A_58, %get3A_59] : memref<1x256xf32, #tpu.memory_space<vmem>>, vector<1x256xf32>
    %add3A_61 = vector.broadcast %get3A_60 : vector<1x256xf32> to vector<1024x256xf32>
    %add3A_62 = arith.addf %dot_general3A_57, %add3A_61 : vector<1024x256xf32>
    %max3A_63 = arith.constant 0.000000e+00 : f32
    %max3A_64 = vector.broadcast %max3A_63 : f32 to vector<1024x256xf32>
    %max3A_65 = arith.maximumf %add3A_62, %max3A_64 : vector<1024x256xf32>
    %get3A_66 = arith.constant 0 : index
    %get3A_67 = arith.constant 0 : index
    %get3A_68 = vector.load %arg14[%get3A_66, %get3A_67] : memref<1x256xf32, #tpu.memory_space<vmem>>, vector<1x256xf32>
    %mul3A_69 = vector.broadcast %get3A_68 : vector<1x256xf32> to vector<1024x256xf32>
    %mul3A_70 = arith.mulf %max3A_65, %mul3A_69 : vector<1024x256xf32>
    %get3A_71 = arith.constant 0 : index
    %get3A_72 = arith.constant 0 : index
    %get3A_73 = vector.load %arg15[%get3A_71, %get3A_72] : memref<1x256xf32, #tpu.memory_space<vmem>>, vector<1x256xf32>
    %add3A_74 = vector.broadcast %get3A_73 : vector<1x256xf32> to vector<1024x256xf32>
    %add3A_75 = arith.addf %mul3A_70, %add3A_74 : vector<1024x256xf32>
    %get3A_76 = arith.constant 0 : index
    %get3A_77 = arith.constant 0 : index
    %get3A_78 = vector.load %arg16[%get3A_76, %get3A_77] : memref<256x1xf32, #tpu.memory_space<vmem>>, vector<256x1xf32>
    %dot_general3A_79 = arith.constant dense<0.000000e+00> : vector<1024x1xf32>
    %dot_general3A_80 = tpu.matmul %add3A_75, %get3A_78, %dot_general3A_79 {dimension_numbers = #tpu.dot_dimension_numbers<[1], [0], [0], [1], [0, 0, 1, 1], [], []>, transpose_lhs_hint = false} : vector<1024x256xf32>, vector<256x1xf32>, vector<1024x1xf32> -> vector<1024x1xf32>
    %get3A_81 = arith.constant 0 : index
    %get3A_82 = arith.constant 0 : index
    %get3A_83 = vector.load %arg17[%get3A_81, %get3A_82] : memref<1x1xf32, #tpu.memory_space<vmem>>, vector<1x1xf32>
    %add3A_84 = vector.broadcast %get3A_83 : vector<1x1xf32> to vector<1024x1xf32>
    %add3A_85 = arith.addf %dot_general3A_80, %add3A_84 : vector<1024x1xf32>
    %swap3A = arith.constant 0 : index
    %swap3A_86 = arith.constant 0 : index
    %swap3A_87 = vector.load %arg18[%swap3A, %swap3A_86] : memref<1024x1xf32, #tpu.memory_space<vmem>>, vector<1024x1xf32>
    tpu.vector_store %arg18[%swap3A, %swap3A_86], %add3A_85 {strides = array<i32>} : memref<1024x1xf32, #tpu.memory_space<vmem>>, vector<1024x1xf32>,
    return
  }
  func.func @transform_0(%arg0: i32) -> (i32, i32) {
    %c0_i32 = arith.constant 0 : i32
    %c0_i32_0 = arith.constant 0 : i32
    return %arg0, %c0_i32 : i32, i32
  }
  func.func @transform_1(%arg0: i32) -> (i32, i32) {
    %c0_i32 = arith.constant 0 : i32
    %c0_i32_0 = arith.constant 0 : i32
    return %arg0, %c0_i32 : i32, i32
  }
  func.func @transform_2(%arg0: i32) -> (i32, i32) {
    %c0_i32 = arith.constant 0 : i32
    %c0_i32_0 = arith.constant 0 : i32
    %c0_i32_1 = arith.constant 0 : i32
    return %c0_i32, %c0_i32_0 : i32, i32
  }
  func.func @transform_3(%arg0: i32) -> (i32, i32) {
    %c0_i32 = arith.constant 0 : i32
    %c0_i32_0 = arith.constant 0 : i32
    %c0_i32_1 = arith.constant 0 : i32
    return %c0_i32, %c0_i32_0 : i32, i32
  }
  func.func @transform_4(%arg0: i32) -> (i32, i32) {
    %c0_i32 = arith.constant 0 : i32
    %c0_i32_0 = arith.constant 0 : i32
    %c0_i32_1 = arith.constant 0 : i32
    return %c0_i32, %c0_i32_0 : i32, i32
  }
  func.func @transform_5(%arg0: i32) -> (i32, i32) {
    %c0_i32 = arith.constant 0 : i32
    %c0_i32_0 = arith.constant 0 : i32
    %c0_i32_1 = arith.constant 0 : i32
    return %c0_i32, %c0_i32_0 : i32, i32
  }
  func.func @transform_6(%arg0: i32) -> (i32, i32) {
    %c0_i32 = arith.constant 0 : i32
    %c0_i32_0 = arith.constant 0 : i32
    %c0_i32_1 = arith.constant 0 : i32
    return %c0_i32, %c0_i32_0 : i32, i32
  }
  func.func @transform_7(%arg0: i32) -> (i32, i32) {
    %c0_i32 = arith.constant 0 : i32
    %c0_i32_0 = arith.constant 0 : i32
    %c0_i32_1 = arith.constant 0 : i32
    return %c0_i32, %c0_i32_0 : i32, i32
  }
  func.func @transform_8(%arg0: i32) -> (i32, i32) {
    %c0_i32 = arith.constant 0 : i32
    %c0_i32_0 = arith.constant 0 : i32
    %c0_i32_1 = arith.constant 0 : i32
    return %c0_i32, %c0_i32_0 : i32, i32
  }
  func.func @transform_9(%arg0: i32) -> (i32, i32) {
    %c0_i32 = arith.constant 0 : i32
    %c0_i32_0 = arith.constant 0 : i32
    %c0_i32_1 = arith.constant 0 : i32
    return %c0_i32, %c0_i32_0 : i32, i32
  }
  func.func @transform_10(%arg0: i32) -> (i32, i32) {
    %c0_i32 = arith.constant 0 : i32
    %c0_i32_0 = arith.constant 0 : i32
    %c0_i32_1 = arith.constant 0 : i32
    return %c0_i32, %c0_i32_0 : i32, i32
  }
  func.func @transform_11(%arg0: i32) -> (i32, i32) {
    %c0_i32 = arith.constant 0 : i32
    %c0_i32_0 = arith.constant 0 : i32
    %c0_i32_1 = arith.constant 0 : i32
    return %c0_i32, %c0_i32_0 : i32, i32
  }
  func.func @transform_12(%arg0: i32) -> (i32, i32) {
    %c0_i32 = arith.constant 0 : i32
    %c0_i32_0 = arith.constant 0 : i32
    %c0_i32_1 = arith.constant 0 : i32
    return %c0_i32, %c0_i32_0 : i32, i32
  }
  func.func @transform_13(%arg0: i32) -> (i32, i32) {
    %c0_i32 = arith.constant 0 : i32
    %c0_i32_0 = arith.constant 0 : i32
    %c0_i32_1 = arith.constant 0 : i32
    return %c0_i32, %c0_i32_0 : i32, i32
  }
  func.func @transform_14(%arg0: i32) -> (i32, i32) {
    %c0_i32 = arith.constant 0 : i32
    %c0_i32_0 = arith.constant 0 : i32
    %c0_i32_1 = arith.constant 0 : i32
    return %c0_i32, %c0_i32_0 : i32, i32
  }
  func.func @transform_15(%arg0: i32) -> (i32, i32) {
    %c0_i32 = arith.constant 0 : i32
    %c0_i32_0 = arith.constant 0 : i32
    %c0_i32_1 = arith.constant 0 : i32
    return %c0_i32, %c0_i32_0 : i32, i32
  }
  func.func @transform_16(%arg0: i32) -> (i32, i32) {
    %c0_i32 = arith.constant 0 : i32
    %c0_i32_0 = arith.constant 0 : i32
    %c0_i32_1 = arith.constant 0 : i32
    return %c0_i32, %c0_i32_0 : i32, i32
  }
  func.func @transform_17(%arg0: i32) -> (i32, i32) {
    %c0_i32 = arith.constant 0 : i32
    %c0_i32_0 = arith.constant 0 : i32
    return %arg0, %c0_i32 : i32, i32
  }
}

</mosaic_0001>

<sc_bundles>
// kernel: kernel.4.cloned.1.call-start
scs
__scs_entry_jumppad:
0x0: {  	(pc) =	sbr.rel $0x88, $3  }
0x1: {  	(tag) =	ssettag $0x0;
	lr =	simm.s32 $0x1  }
0x2: {  	[smem:$0x3F86] =	sst lr;
	_ =	strace $0xD0000000  }
0x3: {  	_ = 	snop  }
0x4: {  	_ = 	snop  }
0x5: {  	_ = 	snop  }
0x6: {  	_ = 	snop  }
0x7: {  	_ = 	snop  }
__scs_overlays_trampoline_lowered:
0x8: {  	[smem:$0x3F95] =	sst s0  }
0x9: {  	[smem:$0x3F96] =	sst s1  }
0xa: {  	[smem:$0x3F97] =	sst s2  }
0xb: {  	[smem:$0x3F98] =	sst s3  }
0xc: {  	[smem:$0x3F99] =	sst s4  }
0xd: {  	[smem:$0x3F9A] =	sst s5  }
0xe: {  	[smem:$0x3F9B] =	sst s6  }
0xf: {  	[smem:$0x3F9C] =	sst s7  }
0x10: {  	[smem:$0x3F9D] =	sst s8  }
0x11: {  	[smem:$0x3F9E] =	sst s9;
	s0 =	simm.s32 @!p0 $0x0  }
0x12: {  	s1 =	sld [smem:$0x3F84];
	s0 =	simm.s32 @p0 $0x1  }
0x13: {  	[smem:$0x3F9F] =	sst s0;
	s0 =	simm.s32 @!p1 $0x0  }
0x14: {  	s2 =	sld [smem:$0x3F83];
	s0 =	simm.s32 @p1 $0x1  }
0x15: {  	[smem:$0x3FA0] =	sst s0;
	s0 =	simm.s32 @!p2 $0x0  }
0x16: {  	s3 =	sld [smem:$0x3FDB];
	s0 =	simm.s32 @p2 $0x1  }
0x17: {  	s4 =	simm.s32 $0x1BF5;
	[smem:$0x3FA2] =	sst s0  }
0x18: {  	s0 =	sld [smem:$0x3F85];
	_ =	swait.ge [sflag:s4], $0x0  }
0x19: {  	s7 =	sld [smem:$0x3F86]  }
0x1a: {  	s8 =	sadd.s32 $0xFFFFE003, lr  }
0x1b: {  	s9 =	sadd.s32 $0xFFFFFEF7, lr;
	s5 =	simm.s32 $0xFFFFFFFF;
	p2 =	slt.u32 s8, $0xFFFFF086  }
0x1c: {  	p1 =	slt.u32 s9, $0xF7A;
	s5 =	simm.s32 @!p2 $0x0  }
0x1d: {  	s5 =	simm.s32 @p1 $0x1;
	p0 =	seq.s32 s7, s2  }
0x1e: {  	s7 =	smul.u32 @!p0 $0xF7A, s2;
	p2 =	seq.s32 @!p0 s5, $0x0  }
0x1f: {  	s9 =	smul.u32 $0xF7A, s1;
	s8 =	simm.s32 @!p0 $0x1BF5;
	p2 =	por !p2, p0  }
0x20: {  	[sflag:s8] =	ssyncset.s32 @!p0 $0xFFFFF086;
	s6 =	sadd.s32 @!p0 s3, s7;
	s7 =	simm.s32 @!p0 $0x108  }
0x21: {  	s3 =	sadd.s32 s3, s9;
	s6 =	sadd.s32 @!p0 $0x88, s6;
	s7 =	simm.s32 @p2 $0x1082  }
0x22: {  	[simem:s7], [sflag:s8] =	dma.local @!p0 [hbm:s6], $0xF7A  }
0x23: {  	s9 =	sor.u32 $0xD0000000, s2;
	s6 =	simm.s32 $0x108;
	_ =	swait.ge @!p0 [sflag:s8], $0x0  }
0x24: {  	s3 =	sadd.s32 $0x88, s3;
	s6 =	simm.s32 @!p1 $0x1082;
	[sflag:s4] =	ssyncset.s32 $0xFFFFF086  }
0x25: {  	[simem:s6], [sflag:s4] =	dma.local [hbm:s3], $0xF7A  }
0x26: {  	[smem:$0x3F86] =	sst s1;
	(tag) =	ssettag s2;
	_ =	strace s9  }
0x27: {  	s1 =	sld [smem:$0x3F96]  }
0x28: {  	s2 =	sld [smem:$0x3F97]  }
0x29: {  	s4 =	sld [smem:$0x3F99]  }
0x2a: {  	p0 =	seq.s32 s5, $0x0;
	s5 =	sld [smem:$0x3F9A]  }
0x2b: {  	s6 =	sld [smem:$0x3F9B]  }
0x2c: {  	s7 =	sld [smem:$0x3F9C]  }
0x2d: {  	s3 =	simm.s32 $0x108;
	s8 =	sld [smem:$0x3F9D]  }
0x2e: {  	s3 =	simm.s32 @!p0 $0x1082;
	s9 =	sld [smem:$0x3F9E]  }
0x2f: {  	lr =	sadd.s32 s0, s3;
	s0 =	sld [smem:$0x3F95]  }
0x30: {  	s3 =	sld [smem:$0x3F98]  }
0x31: {  	[smem:$0x3FA1] =	sst s10  }
0x32: {  	s10 =	sld [smem:$0x3F9F];
	_ =	sdelay $0x3  }
0x33: {  	p0 =	seq.s32 s10, $0x1;
	s10 =	sld [smem:$0x3FA1];
	_ =	sdelay $0x3  }
0x34: {  	[smem:$0x3FA1] =	sst s10  }
0x35: {  	s10 =	sld [smem:$0x3FA0];
	_ =	sdelay $0x3  }
0x36: {  	p1 =	seq.s32 s10, $0x1;
	s10 =	sld [smem:$0x3FA1];
	_ =	sdelay $0x3  }
0x37: {  	[smem:$0x3FA1] =	sst s10  }
0x38: {  	s10 =	sld [smem:$0x3FA2]  }
0x39: {  	_ = 	snop;
	(pc) =	sbr.ind lr, $3  }
0x3a: {  	_ = 	snop  }
0x3b: {  	_ = 	snop  }
0x3c: {  	p2 =	seq.s32 s10, $0x1;
	s10 =	sld [smem:$0x3FA1]  }
0x3d: {  	_ =	shalt  }
0x3e: {  	_ =	shalt  }
0x3f: {  	_ =	shalt  }
0x40: {  	_ =	shalt  }
0x41: {  	_ =	shalt  }
0x42: {  	_ =	shalt  }
0x43: {  	_ =	shalt  }
0x44: {  	_ =	shalt  }
0x45: {  	_ =	shalt  }
0x46: {  	_ =	shalt  }
0x47: {  	_ =	shalt  }
0x48: {  	_ =	shalt  }
0x49: {  	_ =	shalt  }
0x4a: {  	_ =	shalt  }
0x4b: {  	_ =	shalt  }
0x4c: {  	_ =	shalt  }
0x4d: {  	_ =	shalt  }
0x4e: {  	_ =	shalt  }
0x4f: {  	_ =	shalt  }
0x50: {  	_ =	shalt  }
0x51: {  	_ =	shalt  }
0x52: {  	_ =	shalt  }
0x53: {  	_ =	shalt  }
0x54: {  	_ =	shalt  }
0x55: {  	_ =	shalt  }
0x56: {  	_ =	shalt  }
0x57: {  	_ =	shalt  }
0x58: {  	_ =	shalt  }
0x59: {  	_ =	shalt  }
0x5a: {  	_ =	shalt  }
0x5b: {  	_ =	shalt  }
0x5c: {  	_ =	shalt  }
0x5d: {  	_ =	shalt  }
0x5e: {  	_ =	shalt  }
0x5f: {  	_ =	shalt  }
0x60: {  	_ =	shalt  }
0x61: {  	_ =	shalt  }
0x62: {  	_ =	shalt  }
0x63: {  	_ =	shalt  }
0x64: {  	_ =	shalt  }
0x65: {  	_ =	shalt  }
0x66: {  	_ =	shalt  }
0x67: {  	_ =	shalt  }
0x68: {  	_ =	shalt  }
0x69: {  	_ =	shalt  }
0x6a: {  	_ =	shalt  }
0x6b: {  	_ =	shalt  }
0x6c: {  	_ =	shalt  }
0x6d: {  	_ =	shalt  }
0x6e: {  	_ =	shalt  }
0x6f: {  	_ =	shalt  }
0x70: {  	_ =	shalt  }
0x71: {  	_ =	shalt  }
0x72: {  	_ =	shalt  }
0x73: {  	_ =	shalt  }
0x74: {  	_ =	shalt  }
0x75: {  	_ =	shalt  }
0x76: {  	_ =	shalt  }
0x77: {  	_ =	shalt  }
0x78: {  	_ =	shalt  }
0x79: {  	_ =	shalt  }
0x7a: {  	_ =	shalt  }
0x7b: {  	_ =	shalt  }
0x7c: {  	_ =	shalt  }
0x7d: {  	_ =	shalt  }
0x7e: {  	_ =	shalt  }
0x7f: {  	_ =	shalt  }
0x80: {  	_ =	shalt  }
0x81: {  	_ =	shalt  }
0x82: {  	_ =	shalt  }
0x83: {  	_ =	shalt  }
0x84: {  	_ =	shalt  }
0x85: {  	_ =	shalt  }
0x86: {  	_ =	shalt  }
0x87: {  	_ =	shalt  }
.Lfunc_end0:
.L_simem_size_0:
called_computation_lowered:
.L_overlay_start_0:
0x88: {  	s2 =	sld [smem:$0x3FD9]  }
0x89: {  	s3 =	sld [smem:$0x3FFE];
	_ =	sdelay $0x1  }
0x8a: {  	s1 =	srdreg.scid  }
0x8b: {  	s0 =	sand.u32 $0x1, s1  }
0x8c: {  	s16 =	sshll.u32 s0, $0xA;
	s2 =	sadd.s32 s3, s2  }
0x8d: {  	s2 =	sadd.s32 s2, s16  }
0x8e: {  	[smem:$0x3FAD] =	sst s2  }
0x8f: {  	_ = 	snop  }
0x90: {  	(tm) =	ssettm $0x1  }
0x91: {  	s17 =	sld [smem:$0x3FFB];
	_ =	sdelay $0x3  }
0x92: {  	_ =	strace s17  }
0x93: {  	s2 =	sld [smem:$0x3FFC];
	_ =	sdelay $0x3  }
0x94: {  	_ =	strace s2  }
0x95: {  	s2 =	sld [smem:$0x3FFD];
	_ =	sdelay $0x3  }
0x96: {  	_ =	strace s2  }
0x97: {  	_ =	strace $0x8FFFFFFF  }
0x98: {  	s18 =	sld [smem:$0x3FDB];
	_ =	sdelay $0x1  }
0x99: {  	s19 =	simm.s32 $_scs_section_size  }
0x9a: {  	s4 =	simm.s32 $_size__tile_overlayer_lowered;
	s5 =	simm.s32 $_tile_overlayer_lowered  }
0x9b: {  	s22 =	simm.s32 $0x1BFF;
	s21 =	sshll.u32 s5, $0x1;
	s2 =	sadd.s32 s19, s18  }
0x9c: {  	s6 =	simm.s32 $0x0;
	s20 =	sshll.u32 s4, $0x1;
	s4 =	sadd.s32 s21, s2  }
0x9d: {  	[timem:s6], [sflag:s22] =	dma.local [hbm:s4], s20  }
0x9e: {  	_ =	swait.ge [sflag:s22], s20  }
0x9f: {  	s3 =	ssub.s32 $0x0, s20;
	[sflag:s22] =	ssyncset.done $0x0  }
0xa0: {  	[sflag:s22] =	ssyncadd.s32 s3;
	_ =	sdelay $0x1  }
0xa1: {  	s23 =	simm.s32 $0x1B8B  }
0xa2: {  	_ =	swait.ge [sflag:s23], $0x1  }
0xa3: {  	[sflag:s23] =	ssyncset.done $0x0  }
0xa4: {  	s25 =	simm.s32 $0x1B8E;
	s24 =	sld [smem:$0x3FFE];
	[sflag:s23] =	ssyncadd.s32 $0xFFFFFFFF  }
0xa5: {  	s26 =	simm.s32 $execute0_lowered;
	[smem:$0x3FD2] =	sst s25  }
0xa6: {  	s4 =	sshll.u32 s26, $0x1;
	_ =	strace $0x80000046;
	[dreg:$0x1] =	wrdreg $0xFFFFFFFF  }
0xa7: {  	s28 =	simm.s32 $_size_execute0_lowered;
	s2 =	sadd.s32 s2, s4;
	[dreg:$0x0] =	wrdreg $0x0  }
0xa8: {  	s4 =	sshll.u32 s28, $0x1;
	[dreg:$0x2] =	wrdreg s2  }
0xa9: {  	[dreg:$0x3] =	wrdreg s4  }
0xaa: {  	[dreg:$0x4] =	wrdreg $0xC0  }
0xab: {  	_ =	task [dreg:s6], $0x5FFFF  }
0xac: {  	[dreg:$0x1] =	wrdreg $0xFFFFFFFF  }
0xad: {  	[dreg:$0x0] =	wrdreg $0x60  }
0xae: {  	[dreg:$0x2] =	wrdreg s24  }
0xaf: {  	[dreg:$0x3] =	wrdreg $0x9  }
0xb0: {  	_ =	task.clear_ibuf [dreg:s6], $0x4FFFF;
	_ =	strace $0x90000046  }
0xb1: {  	s29 =	simm.s32 $0x9;
	_ =	strace $0x80000048  }
0xb2: {  	_ =	swait.ge [sflag:s29], $0x1  }
0xb3: {  	[sflag:s29] =	ssyncadd.s32 $0xFFFFFFFF  }
0xb4: {  	_ =	strace $0x90000048  }
0xb5: {  	_ =	sfence  }
0xb6: {  	s30 =	sld [smem:$0x0];
	_ =	sdelay $0x2  }
0xb7: {  	s31 =	sshll.u32 s1, $0xD;
	s1 =	sshrl.u32 s1, $0x2  }
0xb8: {  	s3 =	sand.u32 $0x4000, s31;
	s1 =	sadd.s32 s1, s30  }
0xb9: {  	s0 =	sor.u32 s3, s0;
	s1 =	sshll.u32 s1, $0x11  }
0xba: {  	s0 =	sor.u32 s1, s0  }
0xbb: {  	s0 =	sadd.s32 $0x8F2B, s0  }
0xbc: {  	[sflag:s0] =	ssyncadd.remote.s32 $0x1  }
0xbd: {  	_ =	sfence.sel $0xFFFF  }
0xbe: {  	[dreg:$0x0] =	wrdreg $0xFFFFFFFF;
	(pc) =	sbr.abs _section_cstart, $3  }
0xbf: {  	[dreg:$0x1] =	wrdreg $0xFFFFFFFF  }
0xc0: {  	_ =	task.clear_ibuf [dreg:s6], $0x2FFFF;
	_ =	strace $0x9FFFFFFF  }
0xc1: {  	(tm) =	ssettm $0x7FFFFFFF  }
tec
execute0_lowered:
.L_overlay_start_1:
0x0: {  	(tag) =	ssettag $0x1  }
0x1: {  	s1 =	srdreg.scid;
	s0 =	stileid.u32  }
0x2: {  	s12 =	sand.u32 $0x1, s1;
	s28 =	sshll.u32 s0, $0x1  }
0x3: {  	s11 =	sor.u32 s12, s28  }
0x4: {  	s3 =	smul.u32 $0x1A0, s11  }
0x5: {  	s10 =	rddreg [dreg:$0x0];
	s2 =	simm.s32 $0x0  }
0x6: {  	s4 =	simm.s32 $0x4;
	[smem:$0x7FF] =	sst s2;
	s3 =	sadd.s32 s3, s10  }
0x7: {  	s1 =	rddreg [dreg:$0x1];
	_ =	strace $0x80000047;
	s3 =	sadd.s32 $0x1D400, s3  }
0x8: {  	[tilespmem:s2], [sflag:$0x4] =	stream.linear.gather [hbm4b:s3+s2], $0xD00, $0x38;
	[tilespmem:$0x1AD00] =	vst v63  }
0x9: {  	_ =	swait.ge [sflag:s4], $0xD00  }
0xa: {  	s6 =	simm.s32 $0x680;
	s7 =	simm.s32 $0xD00;
	[sflag:s4] =	ssyncset.done $0x0  }
0xb: {  	s8 =	simm.s32 $0xDD00;
	s5 =	sadd.s32 $0x3C00, s10;
	[sflag:s4] =	ssyncadd.s32 $0xFFFFF300  }
0xc: {  	[tilespmem:s7], [sflag:$0x1] =	stream.indirect.gather [hbm4b:s5+s6], $0x20, s2, s6, $0xb8;
	[tilespmem:$0x1AD00] =	vst v63  }
0xd: {  	s9 =	simm.s32 $0x1;
	s14 =	sadd.s32 $0x20800, s10;
	s13 =	smul.u32 $0x3400, s11  }
0xe: {  	[tilespmem:s8], [sflag:$0x2] =	stream.indirect.gather [hbm4b:s5+s6], $0x20, s6, s6, $0xb8;
	[tilespmem:$0x1AD00] =	vst v63  }
0xf: {  	s15 =	ssub.s32 $0x2, s12;
	s29 =	smul.u32 $0x1A000, s11;
	_ =	swait.ge [sflag:s9], $0xD000  }
0x10: {  	s11 =	simm.s32 $0x2;
	s31 =	sshrl.u32 s15, $0x1;
	[sflag:s9] =	ssyncset.done $0x0  }
0x11: {  	s10 =	sadd.s32 s14, s13;
	s13 =	sshrl.u32 s29, $0x3;
	[sflag:s9] =	ssyncadd.s32 $0xFFFF3000  }
0x12: {  	[hbm4b:s10+s2] =	stream.linear.scatter [tilespmem:s7], [sflag:$0x3], $0xD000, $0x38;
	[tilespmem:$0x1AD00] =	vst v63  }
0x13: {  	s30 =	sadd.s32 s14, s13;
	s14 =	ssub.s32 s15, s31;
	_ =	swait.ge [sflag:s11], $0xD000  }
0x14: {  	s12 =	simm.s32 $0x3;
	s14 =	smax.u32 s14, $0x1;
	[sflag:s11] =	ssyncset.done $0x0  }
0x15: {  	s13 =	sadd.s32 $0x1A00, s30;
	p0 =	sne.s32 s14, $0x1;
	[sflag:s11] =	ssyncadd.s32 $0xFFFF3000  }
0x16: {  	[hbm4b:s13+s2] =	stream.linear.scatter [tilespmem:s8], [sflag:$0x3], $0xD000, $0x38;
	[tilespmem:$0x1AD00] =	vst v63  }
.Ltmp0:
0x17: {  	_ =	swait.ge [sflag:s12], $0xD000;
	(pc) =	sbr.rel @!p0 .LBB2_2-.Ltmp0, $4  }
0x18: {  	[sflag:s12] =	ssyncset.done $0x0  }
0x19: {  	[sflag:s12] =	ssyncadd.s32 $0xFFFF3000  }
0x1a: {  	_ =	swait.ge [sflag:s12], $0xD000  }
0x1b: {  	s14 =	sadd.s32 $0xFFFFFFFF, s14;
	[sflag:s12] =	ssyncset.done $0x0  }
.LBB2_1:
0x1c: {  	p0 =	sne.s32 s14, $0x1;
	s14 =	sadd.s32 $0xFFFFFFFF, s14;
	[sflag:s12] =	ssyncadd.s32 $0xFFFF3000  }
0x1d: {  	[tilespmem:s2], [sflag:$0x4] =	stream.linear.gather [hbm4b:s3+s2], $0xD00, $0x38;
	[tilespmem:$0x1AD00] =	vst v63  }
0x1e: {  	_ =	swait.ge [sflag:s4], $0xD00  }
0x1f: {  	[sflag:s4] =	ssyncset.done $0x0  }
0x20: {  	[sflag:s4] =	ssyncadd.s32 $0xFFFFF300  }
0x21: {  	[tilespmem:s7], [sflag:$0x1] =	stream.indirect.gather [hbm4b:s5+s6], $0x20, s2, s6, $0xb8;
	[tilespmem:$0x1AD00] =	vst v63  }
0x22: {  	_ = 	snop  }
0x23: {  	[tilespmem:s8], [sflag:$0x2] =	stream.indirect.gather [hbm4b:s5+s6], $0x20, s6, s6, $0xb8;
	[tilespmem:$0x1AD00] =	vst v63  }
0x24: {  	_ =	swait.ge [sflag:s9], $0xD000  }
0x25: {  	[sflag:s9] =	ssyncset.done $0x0  }
0x26: {  	[sflag:s9] =	ssyncadd.s32 $0xFFFF3000  }
0x27: {  	[hbm4b:s10+s2] =	stream.linear.scatter [tilespmem:s7], [sflag:$0x3], $0xD000, $0x38;
	[tilespmem:$0x1AD00] =	vst v63  }
0x28: {  	_ =	swait.ge [sflag:s11], $0xD000  }
0x29: {  	[sflag:s11] =	ssyncset.done $0x0  }
0x2a: {  	[sflag:s11] =	ssyncadd.s32 $0xFFFF3000  }
0x2b: {  	[hbm4b:s13+s2] =	stream.linear.scatter [tilespmem:s8], [sflag:$0x3], $0xD000, $0x38;
	[tilespmem:$0x1AD00] =	vst v63  }
.Ltmp1:
0x2c: {  	_ =	swait.ge [sflag:s12], $0xD000;
	(pc) =	sbr.rel @p0 .LBB2_1-.Ltmp1, $4  }
0x2d: {  	[sflag:s12] =	ssyncset.done $0x0  }
0x2e: {  	[sflag:s12] =	ssyncadd.s32 $0xFFFF3000  }
0x2f: {  	_ =	swait.ge [sflag:s12], $0xD000  }
0x30: {  	[sflag:s12] =	ssyncset.done $0x0  }
.LBB2_2:
0x31: {  	[sflag:s12] =	ssyncadd.s32 $0xFFFF3000  }
0x32: {  	_ =	sfence.sel $0x180000  }
0x33: {  	[bflag:$0x0] =	sbarrier.arrive $0xFFFF  }
0x34: {  	p0 =	sne.s32 s0, $0x0;
	_ =	strace $0x90000047  }
0x35: {  	s0 =	sadd.s32 @!p0 $0x100000, s1;
	[bflag:$0x2] =	sbarrier.arrive $0xFFFF  }
0x36: {  	[sflag:s0] =	ssyncadd.tile.s32 @!p0 $0x1;
	_ =	shalt  }
.Lfunc_end2:
_tile_overlayer_lowered:
.L_overlay_start_2:
0x37: {  	(tag) =	ssettag $0x2  }
0x38: {  	s0 =	rddreg [dreg:$0x0];
	s2 =	stileid.u32  }
0x39: {  	s1 =	rddreg [dreg:$0x1];
	p0 =	sne.s32 s2, $0x0  }
0x3a: {  	s3 =	rddreg [dreg:$0x2];
	[bflag:$0x3] =	sbarrier.arrive $0xFFFF;
	s2 =	simm.s32 @!p0 $0x1C04  }
0x3b: {  	[timem:s3], [sflag:s2] =	dma.local @!p0 [hbm:s0], s1  }
0x3c: {  	s0 =	simm.s32 @!p0 $0x4  }
0x3d: {  	_ =	swait.ge @!p0 [sflag:s0], s1  }
0x3e: {  	s1 =	ssub.s32 @!p0 $0x0, s1;
	[sflag:s0] =	ssyncset.done @!p0 $0x0  }
0x3f: {  	[sflag:s0] =	ssyncadd.s32 @!p0 s1  }
0x40: {  	[bflag:$0x3] =	sbarrier.arrive $0xFFFF  }
0x41: {  	_ =	shalt  }

</sc_bundles>
